<compile_context>
chip_gen: v7x
topology: tpu7x:2x2x1
jax: 0.10.2.dev20260603
libtpu: 0.0.44.dev20260713+nightly
codegen_flags: <defaults>
</compile_context>

<pallas_src>
import functools

import jax
import jax.numpy as jnp
from jax import lax
from jax.experimental import pallas as pl
from jax.experimental.pallas import tpu as pltpu
from jax.experimental.pallas import tpu_sc as plsc


def _sc_body(pos_hbm, neg_hbm, out_hbm, pv, nv, ov, sem_p, sem_n):
    cp = pltpu.async_copy(pos_hbm.at[pl.ds(0, 64)], pv, sem_p)
    cn = pltpu.async_copy(neg_hbm.at[pl.ds(0, 64)], nv, sem_n)
    cp.wait()
    cn.wait()

    i0 = lax.iota(jnp.int32, 16) * 4
    i1 = i0 + 1
    i2 = i0 + 2
    i3 = i0 + 3
    a = (plsc.load_gather(pv, [i0]) + plsc.load_gather(pv, [i1])
         + plsc.load_gather(nv, [i0]) + plsc.load_gather(nv, [i1]))
    b = (plsc.load_gather(pv, [i2]) + plsc.load_gather(pv, [i3])
         + plsc.load_gather(nv, [i2]) + plsc.load_gather(nv, [i3]))

    m = jnp.maximum(a, b)
    u = jnp.exp(-jnp.abs(a - b)) + jnp.float32(1e-15)
    z = u / (u + jnp.float32(2.0))
    z2 = z * z
    p = jnp.float32(1.0 / 11.0)
    p = jnp.float32(1.0 / 9.0) + z2 * p
    p = jnp.float32(1.0 / 7.0) + z2 * p
    p = jnp.float32(1.0 / 5.0) + z2 * p
    p = jnp.float32(1.0 / 3.0) + z2 * p
    p = jnp.float32(1.0) + z2 * p
    log1p_u = jnp.float32(2.0) * z * p

    ov[...] = m + log1p_u
    pltpu.sync_copy(ov, out_hbm)


def kernel(pos, neg):
    mesh = plsc.VectorSubcoreMesh(
        core_axis_name="c", subcore_axis_name="s", num_cores=1, num_subcores=1
    )
    run = functools.partial(
        pl.kernel,
        mesh=mesh,
        out_type=jax.ShapeDtypeStruct((16,), jnp.float32),
        compiler_params=pltpu.CompilerParams(needs_layout_passes=False),
        scratch_types=[
            pltpu.VMEM((64,), jnp.float32),
            pltpu.VMEM((64,), jnp.float32),
            pltpu.VMEM((16,), jnp.float32),
            pltpu.SemaphoreType.DMA,
            pltpu.SemaphoreType.DMA,
        ],
    )(_sc_body)
    return run(pos, neg)

# --- scband reference (transcript-rebuilt; emitter-appended) ---
"""Pipeline reference for scband-knowledge-layer-6047313953252 (READ-ONLY COPY).

The authoritative reference and input builder live on the scoring server;
editing this copy changes nothing except your own understanding.
"""

import jax, jax.numpy as jnp
import numpy as np

N_VARS = 128
PTRS0 = jnp.arange(2, 130, dtype=jnp.int32)
CSR0 = jnp.repeat(jnp.arange(32, dtype=jnp.int32), 4)
N_OUT0 = 32
PTRS1 = jnp.arange(32, dtype=jnp.int32)
CSR1 = jnp.repeat(jnp.arange(16, dtype=jnp.int32), 2)
N_OUT1 = 16
EPSILON = 1e-15


def encode_input(pos, neg):
    n = pos.shape[0]
    result = jnp.zeros((2 * n + 2,), dtype=jnp.float32)
    result = result.at[2::2].set(pos)
    result = result.at[3::2].set(neg)
    result = result.at[0].set(-jnp.inf)
    result = result.at[1].set(0.0)
    return result


def product_layer(x, ptrs, csr, n_out):
    # gather + scatter-add == segment_sum over output node ids
    return jax.ops.segment_sum(x[ptrs], csr, num_segments=n_out)


def sum_layer(x, ptrs, csr, n_out):
    g = x[ptrs]
    # torch computes the segment max under no_grad -> stop_gradient
    max_out = jax.lax.stop_gradient(jax.ops.segment_max(g, csr, num_segments=n_out))
    e = jnp.exp(g - max_out[csr])
    e = jnp.nan_to_num(e, nan=0.0, posinf=jnp.inf, neginf=-jnp.inf)
    # torch fills output with EPSILON then scatter_add_ on top of it
    s = EPSILON + jax.ops.segment_sum(e, csr, num_segments=n_out)
    return jnp.log(s) + max_out


def setup_inputs(seed: int = 0):
    key = jax.random.key(seed)
    k1, k2 = jax.random.split(key)
    pos = jax.random.normal(k1, (N_VARS,), dtype=jnp.float32)
    neg = jax.random.normal(k2, (N_VARS,), dtype=jnp.float32)
    return {"pos": pos, "neg": neg}


def reference(pos, neg):
    x = encode_input(pos, neg)
    x = product_layer(x, PTRS0, CSR0, N_OUT0)
    x = sum_layer(x, PTRS1, CSR1, N_OUT1)
    return x

if __name__ == "__main__":
    import jax
    _d = setup_inputs()
    print(jax.jit(kernel)(*tuple(_d.values())))

</pallas_src>

<mosaic_0001>
#map = affine_map<(d0, d1) -> (0)>
module attributes {stable_mosaic.version = 14 : i64} {
  func.func @_sc_body(%arg0: i32, %arg1: i32, %arg2: memref<128xf32, #tpu.memory_space<hbm>>, %arg3: memref<128xf32, #tpu.memory_space<hbm>>, %arg4: memref<16xf32, #tpu.memory_space<hbm>>, %arg5: memref<64xf32, #tpu.memory_space<vmem>>, %arg6: memref<64xf32, #tpu.memory_space<vmem>>, %arg7: memref<16xf32, #tpu.memory_space<vmem>>, %arg8: memref<!tpu.dma_semaphore, #tpu.memory_space<semaphore_mem>>, %arg9: memref<!tpu.dma_semaphore, #tpu.memory_space<semaphore_mem>>) attributes {dimension_semantics = [#tpu.dimension_semantics<core_parallel>, #tpu.dimension_semantics<subcore_parallel>], iteration_bounds = array<i64: 1, 1>, scalar_prefetch = 0 : i64, scratch_operands = 5 : i64, tpu.core_type = #tpu.core_type<sc_vector_subcore>, window_params = [{transform_indices = #map}, {transform_indices = #map}, {transform_indices = #map}]} {
    %dma_start3A = arith.constant 0 : i32
    %dma_start3A_0 = tpu.memref_slice %arg2[%dma_start3A] : memref<128xf32, #tpu.memory_space<hbm>> -> memref<64xf32, #tpu.memory_space<hbm>>
    %dma_start3A_1 = arith.constant 0 : i32
    %dma_start3A_2 = tpu.memref_slice %arg2[%dma_start3A_1] : memref<128xf32, #tpu.memory_space<hbm>> -> memref<64xf32, #tpu.memory_space<hbm>>
    tpu.enqueue_dma source(%dma_start3A_2 : memref<64xf32, #tpu.memory_space<hbm>>) target(%arg5 : memref<64xf32, #tpu.memory_space<vmem>>) target_semaphore(%arg8 : memref<!tpu.dma_semaphore, #tpu.memory_space<semaphore_mem>>)
    %dma_start3A_3 = arith.constant 0 : i32
    %dma_start3A_4 = tpu.memref_slice %arg3[%dma_start3A_3] : memref<128xf32, #tpu.memory_space<hbm>> -> memref<64xf32, #tpu.memory_space<hbm>>
    %dma_start3A_5 = arith.constant 0 : i32
    %dma_start3A_6 = tpu.memref_slice %arg3[%dma_start3A_5] : memref<128xf32, #tpu.memory_space<hbm>> -> memref<64xf32, #tpu.memory_space<hbm>>
    tpu.enqueue_dma source(%dma_start3A_6 : memref<64xf32, #tpu.memory_space<hbm>>) target(%arg6 : memref<64xf32, #tpu.memory_space<vmem>>) target_semaphore(%arg9 : memref<!tpu.dma_semaphore, #tpu.memory_space<semaphore_mem>>)
    %dma_wait3A = arith.constant 0 : i32
    %dma_wait3A_7 = tpu.memref_slice %arg2[%dma_wait3A] : memref<128xf32, #tpu.memory_space<hbm>> -> memref<64xf32, #tpu.memory_space<hbm>>
    %dma_wait3A_8 = arith.constant 0 : i32
    %dma_wait3A_9 = tpu.memref_slice %arg2[%dma_wait3A_8] : memref<128xf32, #tpu.memory_space<hbm>> -> memref<64xf32, #tpu.memory_space<hbm>>
    tpu.wait_dma2 semaphore(%arg8 : memref<!tpu.dma_semaphore, #tpu.memory_space<semaphore_mem>>) src(%dma_wait3A_9 : memref<64xf32, #tpu.memory_space<hbm>>) dst(%arg5 : memref<64xf32, #tpu.memory_space<vmem>>)
    %dma_wait3A_10 = arith.constant 0 : i32
    %dma_wait3A_11 = tpu.memref_slice %arg3[%dma_wait3A_10] : memref<128xf32, #tpu.memory_space<hbm>> -> memref<64xf32, #tpu.memory_space<hbm>>
    %dma_wait3A_12 = arith.constant 0 : i32
    %dma_wait3A_13 = tpu.memref_slice %arg3[%dma_wait3A_12] : memref<128xf32, #tpu.memory_space<hbm>> -> memref<64xf32, #tpu.memory_space<hbm>>
    tpu.wait_dma2 semaphore(%arg9 : memref<!tpu.dma_semaphore, #tpu.memory_space<semaphore_mem>>) src(%dma_wait3A_13 : memref<64xf32, #tpu.memory_space<hbm>>) dst(%arg6 : memref<64xf32, #tpu.memory_space<vmem>>)
    %iota3A = tpu.iota {dimensions = array<i32: 0>} : vector<16xi32>
    %mul3A = arith.constant 4 : i32
    %mul3A_14 = vector.broadcast %mul3A : i32 to vector<16xi32>
    %mul3A_15 = arith.muli %iota3A, %mul3A_14 : vector<16xi32>
    %add3A = arith.constant 1 : i32
    %add3A_16 = vector.broadcast %add3A : i32 to vector<16xi32>
    %add3A_17 = arith.addi %mul3A_15, %add3A_16 : vector<16xi32>
    %add3A_18 = arith.constant 2 : i32
    %add3A_19 = vector.broadcast %add3A_18 : i32 to vector<16xi32>
    %add3A_20 = arith.addi %mul3A_15, %add3A_19 : vector<16xi32>
    %add3A_21 = arith.constant 3 : i32
    %add3A_22 = vector.broadcast %add3A_21 : i32 to vector<16xi32>
    %add3A_23 = arith.addi %mul3A_15, %add3A_22 : vector<16xi32>
    %gather3A = tpu.vector_load_idx %arg5[%mul3A_15] : memref<64xf32, #tpu.memory_space<vmem>>[vector<16xi32>], vector<16xf32>,
    %gather3A_24 = tpu.vector_load_idx %arg5[%add3A_17] : memref<64xf32, #tpu.memory_space<vmem>>[vector<16xi32>], vector<16xf32>,
    %add3A_25 = arith.addf %gather3A, %gather3A_24 : vector<16xf32>
    %gather3A_26 = tpu.vector_load_idx %arg6[%mul3A_15] : memref<64xf32, #tpu.memory_space<vmem>>[vector<16xi32>], vector<16xf32>,
    %add3A_27 = arith.addf %add3A_25, %gather3A_26 : vector<16xf32>
    %gather3A_28 = tpu.vector_load_idx %arg6[%add3A_17] : memref<64xf32, #tpu.memory_space<vmem>>[vector<16xi32>], vector<16xf32>,
    %add3A_29 = arith.addf %add3A_27, %gather3A_28 : vector<16xf32>
    %gather3A_30 = tpu.vector_load_idx %arg5[%add3A_20] : memref<64xf32, #tpu.memory_space<vmem>>[vector<16xi32>], vector<16xf32>,
    %gather3A_31 = tpu.vector_load_idx %arg5[%add3A_23] : memref<64xf32, #tpu.memory_space<vmem>>[vector<16xi32>], vector<16xf32>,
    %add3A_32 = arith.addf %gather3A_30, %gather3A_31 : vector<16xf32>
    %gather3A_33 = tpu.vector_load_idx %arg6[%add3A_20] : memref<64xf32, #tpu.memory_space<vmem>>[vector<16xi32>], vector<16xf32>,
    %add3A_34 = arith.addf %add3A_32, %gather3A_33 : vector<16xf32>
    %gather3A_35 = tpu.vector_load_idx %arg6[%add3A_23] : memref<64xf32, #tpu.memory_space<vmem>>[vector<16xi32>], vector<16xf32>,
    %add3A_36 = arith.addf %add3A_34, %gather3A_35 : vector<16xf32>
    %max3A = arith.maximumf %add3A_29, %add3A_36 : vector<16xf32>
    %sub3A = arith.subf %add3A_29, %add3A_36 : vector<16xf32>
    %abs3A = math.absf %sub3A : vector<16xf32>
    %neg3A = arith.constant 0.000000e+00 : f32
    %neg3A_37 = vector.broadcast %neg3A : f32 to vector<16xf32>
    %neg3A_38 = arith.subf %neg3A_37, %abs3A : vector<16xf32>
    %exp3A = math.exp %neg3A_38 : vector<16xf32>
    %add3A_39 = arith.constant 1.000000e-15 : f32
    %add3A_40 = vector.broadcast %add3A_39 : f32 to vector<16xf32>
    %add3A_41 = arith.addf %exp3A, %add3A_40 : vector<16xf32>
    %add3A_42 = arith.constant 2.000000e+00 : f32
    %add3A_43 = vector.broadcast %add3A_42 : f32 to vector<16xf32>
    %add3A_44 = arith.addf %add3A_41, %add3A_43 : vector<16xf32>
    %div3A = arith.divf %add3A_41, %add3A_44 : vector<16xf32>
    %mul3A_45 = arith.mulf %div3A, %div3A : vector<16xf32>
    %mul3A_46 = arith.constant 0.0909090936 : f32
    %mul3A_47 = vector.broadcast %mul3A_46 : f32 to vector<16xf32>
    %mul3A_48 = arith.mulf %mul3A_45, %mul3A_47 : vector<16xf32>
    %add3A_49 = arith.constant 0.111111112 : f32
    %add3A_50 = vector.broadcast %add3A_49 : f32 to vector<16xf32>
    %add3A_51 = arith.addf %add3A_50, %mul3A_48 : vector<16xf32>
    %mul3A_52 = arith.mulf %mul3A_45, %add3A_51 : vector<16xf32>
    %add3A_53 = arith.constant 0.142857149 : f32
    %add3A_54 = vector.broadcast %add3A_53 : f32 to vector<16xf32>
    %add3A_55 = arith.addf %add3A_54, %mul3A_52 : vector<16xf32>
    %mul3A_56 = arith.mulf %mul3A_45, %add3A_55 : vector<16xf32>
    %add3A_57 = arith.constant 2.000000e-01 : f32
    %add3A_58 = vector.broadcast %add3A_57 : f32 to vector<16xf32>
    %add3A_59 = arith.addf %add3A_58, %mul3A_56 : vector<16xf32>
    %mul3A_60 = arith.mulf %mul3A_45, %add3A_59 : vector<16xf32>
    %add3A_61 = arith.constant 0.333333343 : f32
    %add3A_62 = vector.broadcast %add3A_61 : f32 to vector<16xf32>
    %add3A_63 = arith.addf %add3A_62, %mul3A_60 : vector<16xf32>
    %mul3A_64 = arith.mulf %mul3A_45, %add3A_63 : vector<16xf32>
    %add3A_65 = arith.constant 1.000000e+00 : f32
    %add3A_66 = vector.broadcast %add3A_65 : f32 to vector<16xf32>
    %add3A_67 = arith.addf %add3A_66, %mul3A_64 : vector<16xf32>
    %mul3A_68 = arith.constant 2.000000e+00 : f32
    %mul3A_69 = vector.broadcast %mul3A_68 : f32 to vector<16xf32>
    %mul3A_70 = arith.mulf %mul3A_69, %div3A : vector<16xf32>
    %mul3A_71 = arith.mulf %mul3A_70, %add3A_67 : vector<16xf32>
    %add3A_72 = arith.addf %max3A, %mul3A_71 : vector<16xf32>
    %swap3A = arith.constant 0 : index
    %swap3A_73 = tpu.vector_load %arg7[%swap3A] {strides = array<i32>} : memref<16xf32, #tpu.memory_space<vmem>>, vector<16xf32>,
    tpu.vector_store %arg7[%swap3A], %add3A_72 {strides = array<i32>} : memref<16xf32, #tpu.memory_space<vmem>>, vector<16xf32>,
    "tpu.region"() ({
      %run_scoped3A = tpu.sem_alloc : memref<!tpu.dma_semaphore, #tpu.memory_space<semaphore_mem>>
      tpu.enqueue_dma source(%arg7 : memref<16xf32, #tpu.memory_space<vmem>>) target(%arg4 : memref<16xf32, #tpu.memory_space<hbm>>) target_semaphore(%run_scoped3A : memref<!tpu.dma_semaphore, #tpu.memory_space<semaphore_mem>>)
      tpu.wait_dma2 semaphore(%run_scoped3A : memref<!tpu.dma_semaphore, #tpu.memory_space<semaphore_mem>>) src(%arg7 : memref<16xf32, #tpu.memory_space<vmem>>) dst(%arg4 : memref<16xf32, #tpu.memory_space<hbm>>)
      tpu.yield
    }) : () -> ()
    return
  }
}

</mosaic_0001>

<sc_bundles>
// kernel: kernel.3.cloned.1.call-start
scs
__scs_entry_jumppad:
0x0: {  	(pc) =	sbr.rel $0x88, $3  }
0x1: {  	(tag) =	ssettag $0x0;
	lr =	simm.s32 $0x1  }
0x2: {  	[smem:$0x3F9F] =	sst lr;
	_ =	strace $0xD0000000  }
0x3: {  	_ = 	snop  }
0x4: {  	_ = 	snop  }
0x5: {  	_ = 	snop  }
0x6: {  	_ = 	snop  }
0x7: {  	_ = 	snop  }
__scs_overlays_trampoline_lowered:
0x8: {  	[smem:$0x3FAE] =	sst s0  }
0x9: {  	[smem:$0x3FAF] =	sst s1  }
0xa: {  	[smem:$0x3FB0] =	sst s2  }
0xb: {  	[smem:$0x3FB1] =	sst s3  }
0xc: {  	[smem:$0x3FB2] =	sst s4  }
0xd: {  	[smem:$0x3FB3] =	sst s5  }
0xe: {  	[smem:$0x3FB4] =	sst s6  }
0xf: {  	[smem:$0x3FB5] =	sst s7  }
0x10: {  	[smem:$0x3FB6] =	sst s8  }
0x11: {  	[smem:$0x3FB7] =	sst s9;
	s0 =	simm.s32 @!p0 $0x0  }
0x12: {  	s1 =	sld [smem:$0x3F9D];
	s0 =	simm.s32 @p0 $0x1  }
0x13: {  	[smem:$0x3FB8] =	sst s0;
	s0 =	simm.s32 @!p1 $0x0  }
0x14: {  	s2 =	sld [smem:$0x3F9C];
	s0 =	simm.s32 @p1 $0x1  }
0x15: {  	[smem:$0x3FB9] =	sst s0;
	s0 =	simm.s32 @!p2 $0x0  }
0x16: {  	s3 =	sld [smem:$0x3FDB];
	s0 =	simm.s32 @p2 $0x1  }
0x17: {  	s4 =	simm.s32 $0x1BF5;
	[smem:$0x3FBB] =	sst s0  }
0x18: {  	s0 =	sld [smem:$0x3F9E];
	_ =	swait.ge [sflag:s4], $0x0  }
0x19: {  	s7 =	sld [smem:$0x3F9F]  }
0x1a: {  	s8 =	sadd.s32 $0xFFFFE003, lr  }
0x1b: {  	s9 =	sadd.s32 $0xFFFFFEF7, lr;
	s5 =	simm.s32 $0xFFFFFFFF;
	p2 =	slt.u32 s8, $0xFFFFF086  }
0x1c: {  	p1 =	slt.u32 s9, $0xF7A;
	s5 =	simm.s32 @!p2 $0x0  }
0x1d: {  	s5 =	simm.s32 @p1 $0x1;
	p0 =	seq.s32 s7, s2  }
0x1e: {  	s7 =	smul.u32 @!p0 $0xF7A, s2;
	p2 =	seq.s32 @!p0 s5, $0x0  }
0x1f: {  	s9 =	smul.u32 $0xF7A, s1;
	s8 =	simm.s32 @!p0 $0x1BF5;
	p2 =	por !p2, p0  }
0x20: {  	[sflag:s8] =	ssyncset.s32 @!p0 $0xFFFFF086;
	s6 =	sadd.s32 @!p0 s3, s7;
	s7 =	simm.s32 @!p0 $0x108  }
0x21: {  	s3 =	sadd.s32 s3, s9;
	s6 =	sadd.s32 @!p0 $0x88, s6;
	s7 =	simm.s32 @p2 $0x1082  }
0x22: {  	[simem:s7], [sflag:s8] =	dma.local @!p0 [hbm:s6], $0xF7A  }
0x23: {  	s9 =	sor.u32 $0xD0000000, s2;
	s6 =	simm.s32 $0x108;
	_ =	swait.ge @!p0 [sflag:s8], $0x0  }
0x24: {  	s3 =	sadd.s32 $0x88, s3;
	s6 =	simm.s32 @!p1 $0x1082;
	[sflag:s4] =	ssyncset.s32 $0xFFFFF086  }
0x25: {  	[simem:s6], [sflag:s4] =	dma.local [hbm:s3], $0xF7A  }
0x26: {  	[smem:$0x3F9F] =	sst s1;
	(tag) =	ssettag s2;
	_ =	strace s9  }
0x27: {  	s1 =	sld [smem:$0x3FAF]  }
0x28: {  	s2 =	sld [smem:$0x3FB0]  }
0x29: {  	s4 =	sld [smem:$0x3FB2]  }
0x2a: {  	p0 =	seq.s32 s5, $0x0;
	s5 =	sld [smem:$0x3FB3]  }
0x2b: {  	s6 =	sld [smem:$0x3FB4]  }
0x2c: {  	s7 =	sld [smem:$0x3FB5]  }
0x2d: {  	s3 =	simm.s32 $0x108;
	s8 =	sld [smem:$0x3FB6]  }
0x2e: {  	s3 =	simm.s32 @!p0 $0x1082;
	s9 =	sld [smem:$0x3FB7]  }
0x2f: {  	lr =	sadd.s32 s0, s3;
	s0 =	sld [smem:$0x3FAE]  }
0x30: {  	s3 =	sld [smem:$0x3FB1]  }
0x31: {  	[smem:$0x3FBA] =	sst s10  }
0x32: {  	s10 =	sld [smem:$0x3FB8];
	_ =	sdelay $0x3  }
0x33: {  	p0 =	seq.s32 s10, $0x1;
	s10 =	sld [smem:$0x3FBA];
	_ =	sdelay $0x3  }
0x34: {  	[smem:$0x3FBA] =	sst s10  }
0x35: {  	s10 =	sld [smem:$0x3FB9];
	_ =	sdelay $0x3  }
0x36: {  	p1 =	seq.s32 s10, $0x1;
	s10 =	sld [smem:$0x3FBA];
	_ =	sdelay $0x3  }
0x37: {  	[smem:$0x3FBA] =	sst s10  }
0x38: {  	s10 =	sld [smem:$0x3FBB]  }
0x39: {  	_ = 	snop;
	(pc) =	sbr.ind lr, $3  }
0x3a: {  	_ = 	snop  }
0x3b: {  	_ = 	snop  }
0x3c: {  	p2 =	seq.s32 s10, $0x1;
	s10 =	sld [smem:$0x3FBA]  }
0x3d: {  	_ =	shalt  }
0x3e: {  	_ =	shalt  }
0x3f: {  	_ =	shalt  }
0x40: {  	_ =	shalt  }
0x41: {  	_ =	shalt  }
0x42: {  	_ =	shalt  }
0x43: {  	_ =	shalt  }
0x44: {  	_ =	shalt  }
0x45: {  	_ =	shalt  }
0x46: {  	_ =	shalt  }
0x47: {  	_ =	shalt  }
0x48: {  	_ =	shalt  }
0x49: {  	_ =	shalt  }
0x4a: {  	_ =	shalt  }
0x4b: {  	_ =	shalt  }
0x4c: {  	_ =	shalt  }
0x4d: {  	_ =	shalt  }
0x4e: {  	_ =	shalt  }
0x4f: {  	_ =	shalt  }
0x50: {  	_ =	shalt  }
0x51: {  	_ =	shalt  }
0x52: {  	_ =	shalt  }
0x53: {  	_ =	shalt  }
0x54: {  	_ =	shalt  }
0x55: {  	_ =	shalt  }
0x56: {  	_ =	shalt  }
0x57: {  	_ =	shalt  }
0x58: {  	_ =	shalt  }
0x59: {  	_ =	shalt  }
0x5a: {  	_ =	shalt  }
0x5b: {  	_ =	shalt  }
0x5c: {  	_ =	shalt  }
0x5d: {  	_ =	shalt  }
0x5e: {  	_ =	shalt  }
0x5f: {  	_ =	shalt  }
0x60: {  	_ =	shalt  }
0x61: {  	_ =	shalt  }
0x62: {  	_ =	shalt  }
0x63: {  	_ =	shalt  }
0x64: {  	_ =	shalt  }
0x65: {  	_ =	shalt  }
0x66: {  	_ =	shalt  }
0x67: {  	_ =	shalt  }
0x68: {  	_ =	shalt  }
0x69: {  	_ =	shalt  }
0x6a: {  	_ =	shalt  }
0x6b: {  	_ =	shalt  }
0x6c: {  	_ =	shalt  }
0x6d: {  	_ =	shalt  }
0x6e: {  	_ =	shalt  }
0x6f: {  	_ =	shalt  }
0x70: {  	_ =	shalt  }
0x71: {  	_ =	shalt  }
0x72: {  	_ =	shalt  }
0x73: {  	_ =	shalt  }
0x74: {  	_ =	shalt  }
0x75: {  	_ =	shalt  }
0x76: {  	_ =	shalt  }
0x77: {  	_ =	shalt  }
0x78: {  	_ =	shalt  }
0x79: {  	_ =	shalt  }
0x7a: {  	_ =	shalt  }
0x7b: {  	_ =	shalt  }
0x7c: {  	_ =	shalt  }
0x7d: {  	_ =	shalt  }
0x7e: {  	_ =	shalt  }
0x7f: {  	_ =	shalt  }
0x80: {  	_ =	shalt  }
0x81: {  	_ =	shalt  }
0x82: {  	_ =	shalt  }
0x83: {  	_ =	shalt  }
0x84: {  	_ =	shalt  }
0x85: {  	_ =	shalt  }
0x86: {  	_ =	shalt  }
0x87: {  	_ =	shalt  }
.Lfunc_end0:
.L_simem_size_0:
called_computation_lowered:
.L_overlay_start_0:
0x88: {  	s0 =	sld [smem:$0x3FD9]  }
0x89: {  	s1 =	sld [smem:$0x3FFE];
	_ =	sdelay $0x3  }
0x8a: {  	s0 =	sadd.s32 s1, s0  }
0x8b: {  	[smem:$0x3FC6] =	sst s0  }
0x8c: {  	_ = 	snop  }
0x8d: {  	s0 =	sld [smem:$0x3FC9]  }
0x8e: {  	s17 =	sld [smem:$0x3FC8]  }
0x8f: {  	s2 =	sld [smem:$0x3FD0];
	(tm) =	ssettm $0x1  }
0x90: {  	s3 =	sld [smem:$0x3FFB];
	_ =	sdelay $0x3  }
0x91: {  	_ =	strace s3  }
0x92: {  	s3 =	sld [smem:$0x3FFC];
	_ =	sdelay $0x3  }
0x93: {  	_ =	strace s3  }
0x94: {  	s3 =	sld [smem:$0x3FFD];
	_ =	sdelay $0x3  }
0x95: {  	_ =	strace s3  }
0x96: {  	_ =	strace $0x8FFFFFFF  }
0x97: {  	s18 =	sld [smem:$0x3FDB];
	_ =	sdelay $0x1  }
0x98: {  	s4 =	simm.s32 $_scs_section_size  }
0x99: {  	s5 =	simm.s32 $_size__tile_overlayer_lowered;
	s6 =	simm.s32 $_tile_overlayer_lowered  }
0x9a: {  	s21 =	simm.s32 $0x1BFF;
	s20 =	sshll.u32 s6, $0x1;
	s3 =	sadd.s32 s4, s18  }
0x9b: {  	s7 =	simm.s32 $0x0;
	s19 =	sshll.u32 s5, $0x1;
	s5 =	sadd.s32 s20, s3  }
0x9c: {  	[timem:s7], [sflag:s21] =	dma.local [hbm:s5], s19  }
0x9d: {  	_ =	swait.ge [sflag:s21], s19  }
0x9e: {  	s4 =	ssub.s32 $0x0, s19;
	[sflag:s21] =	ssyncset.done $0x0  }
0x9f: {  	[sflag:s21] =	ssyncadd.s32 s4;
	_ =	sdelay $0x1  }
0xa0: {  	s22 =	simm.s32 $0x1B8B  }
0xa1: {  	_ =	swait.ge [sflag:s22], $0x1  }
0xa2: {  	[sflag:s22] =	ssyncset.done $0x0  }
0xa3: {  	s23 =	simm.s32 $0x1B8E;
	[sflag:s22] =	ssyncadd.s32 $0xFFFFFFFF  }
0xa4: {  	s24 =	simm.s32 $execute0_lowered;
	[smem:$0x3FD2] =	sst s23  }
0xa5: {  	s4 =	sshll.u32 s24, $0x1;
	_ =	strace $0x80000046;
	[dreg:$0x1] =	wrdreg $0xFFFFFFFF  }
0xa6: {  	s25 =	simm.s32 $_size_execute0_lowered;
	s3 =	sadd.s32 s3, s4;
	[dreg:$0x0] =	wrdreg $0x0  }
0xa7: {  	s4 =	sshll.u32 s25, $0x1;
	[dreg:$0x2] =	wrdreg s3  }
0xa8: {  	[dreg:$0x3] =	wrdreg s4  }
0xa9: {  	[dreg:$0x4] =	wrdreg $0xC0  }
0xaa: {  	_ =	task [dreg:s7], $0x5FFFF  }
0xab: {  	[dreg:$0x1] =	wrdreg $0xFFFFFFFF  }
0xac: {  	[dreg:$0x0] =	wrdreg $0x60  }
0xad: {  	[dreg:$0x2] =	wrdreg s0  }
0xae: {  	[dreg:$0x3] =	wrdreg s17  }
0xaf: {  	[dreg:$0x4] =	wrdreg s2  }
0xb0: {  	[dreg:$0x5] =	wrdreg $0x9  }
0xb1: {  	_ =	task.clear_ibuf [dreg:s7], $0x6FFFF;
	_ =	strace $0x90000046  }
0xb2: {  	s26 =	simm.s32 $0x9;
	_ =	strace $0x80000048  }
0xb3: {  	_ =	swait.ge [sflag:s26], $0x1  }
0xb4: {  	[sflag:s26] =	ssyncadd.s32 $0xFFFFFFFF  }
0xb5: {  	_ =	strace $0x90000048  }
0xb6: {  	_ =	sfence  }
0xb7: {  	s28 =	sld [smem:$0x0];
	_ =	sdelay $0x1  }
0xb8: {  	s29 =	srdreg.scid  }
0xb9: {  	s30 =	sshll.u32 s29, $0xD;
	s31 =	sshrl.u32 s29, $0x2  }
0xba: {  	s1 =	sand.u32 $0x1, s29;
	s2 =	sand.u32 $0x4000, s30;
	s0 =	sadd.s32 s31, s28  }
0xbb: {  	s1 =	sor.u32 s2, s1;
	s0 =	sshll.u32 s0, $0x11  }
0xbc: {  	s0 =	sor.u32 s0, s1  }
0xbd: {  	s0 =	sadd.s32 $0x8F2B, s0  }
0xbe: {  	[sflag:s0] =	ssyncadd.remote.s32 $0x1  }
0xbf: {  	_ =	sfence.sel $0xFFFF  }
0xc0: {  	[dreg:$0x0] =	wrdreg $0xFFFFFFFF;
	(pc) =	sbr.abs _section_cstart, $3  }
0xc1: {  	[dreg:$0x1] =	wrdreg $0xFFFFFFFF  }
0xc2: {  	_ =	task.clear_ibuf [dreg:s7], $0x2FFFF;
	_ =	strace $0x9FFFFFFF  }
0xc3: {  	(tm) =	ssettm $0x7FFFFFFF  }
tec
execute0_lowered:
.L_overlay_start_1:
0x0: {  	(tag) =	ssettag $0x1  }
0x1: {  	s2 =	rddreg [dreg:$0x0]  }
0x2: {  	s3 =	rddreg [dreg:$0x1];
	s4 =	stileid.u32  }
0x3: {  	s1 =	rddreg [dreg:$0x2];
	p0 =	sne.s32 s4, $0x0  }
0x4: {  	s0 =	rddreg [dreg:$0x3];
	_ =	strace $0x80000047;
	s4 =	simm.s32 @!p0 $0x0  }
0x5: {  	[tilespmem:s4], [sflag:$0x1] =	stream.linear.gather @!p0 [hbm4b:s2+s4], $0x40, $0x38;
	[tilespmem:$0x180] =	vst v63  }
0x6: {  	s2 =	simm.s32 @!p0 $0x80  }
0x7: {  	[tilespmem:s2], [sflag:$0x2] =	stream.linear.gather @!p0 [hbm4b:s3+s4], $0x40, $0x38;
	[tilespmem:$0x180] =	vst v63  }
0x8: {  	v0 =	vlaneseq.u32 @!p0;
	s3 =	simm.s32 @!p0 $0x1  }
0x9: {  	v0 =	vmul.u32 @!p0 $0x4, v0;
	_ =	swait.ge @!p0 [sflag:s3], $0x40  }
0xa: {  	[sflag:s3] =	ssyncset.done @!p0 $0x0  }
0xb: {  	v1 =	vor.u32 @!p0 $0x1, v0;
	[sflag:s3] =	ssyncadd.s32 @!p0 $0xFFFFFFC0;
	s3 =	simm.s32 @!p0 $0x2  }
0xc: {  	v2 =	vor.u32 @!p0 $0x2, v0;
	_ =	swait.ge @!p0 [sflag:s3], $0x40  }
0xd: {  	v3 =	vor.u32 @!p0 $0x3, v0;
	[sflag:s3] =	ssyncset.done @!p0 $0x0  }
0xe: {  	[sflag:s3] =	ssyncadd.s32 @!p0 $0xFFFFFFC0  }
0xf: {  	v4 =	vld.idx.msk @!p0 [tilespmem:v0+s4+$0x0], $0xffff  }
0x10: {  	v5 =	vld.idx.msk @!p0 [tilespmem:v1+s4+$0x0], $0xffff  }
0x11: {  	v6 =	vld.idx.msk @!p0 [tilespmem:v2+s4+$0x0], $0xffff  }
0x12: {  	v7 =	vld.idx.msk @!p0 [tilespmem:v3+s4+$0x0], $0xffff  }
0x13: {  	v0 =	vld.idx.msk @!p0 [tilespmem:v0+s2+$0x0], $0xffff  }
0x14: {  	v2 =	vld.idx.msk @!p0 [tilespmem:v2+s2+$0x0], $0xffff  }
0x15: {  	v1 =	vld.idx.msk @!p0 [tilespmem:v1+s2+$0x0], $0xffff  }
0x16: {  	v3 =	vld.idx.msk @!p0 [tilespmem:v3+s2+$0x0], $0xffff  }
0x17: {  	v4 =	vadd.f32 @!p0 v5, v4;
	v5 =	vadd.f32 @!p0 v7, v6;
	_ =	sdelay $0x1  }
0x18: {  	v0 =	vadd.f32 @!p0 v0, v4;
	v2 =	vadd.f32 @!p0 v2, v5;
	_ =	sdelay $0x1  }
0x19: {  	v0 =	vadd.f32 @!p0 v1, v0;
	v1 =	vadd.f32 @!p0 v3, v2;
	_ =	sdelay $0x1  }
0x1a: {  	v2 =	vsub.f32 @!p0 v0, v1;
	_ =	sdelay $0x1  }
0x1b: {  	v2 =	vand.u32 @!p0 $0x7FFFFFFF, v2  }
0x1c: {  	v2 =	vsub.f32 @!p0 $0.0e+00, v2;
	_ =	sdelay $0x1  }
0x1d: {  	v2 =	vmul.f32 @!p0 $1.442695020e+00, v2;
	_ =	sdelay $0x1  }
0x1e: {  	(erf) = vpow2.f32 @!p0 v2;
	_ =	sdelay $0x8  }
0x1f: {  	v2 =	vpop @!p0 (erf)  }
0x20: {  	v2 =	vadd.f32 @!p0 $1.000000000e-15, v2;
	_ =	sdelay $0x1  }
0x21: {  	v3 =	vadd.f32 @!p0 $2.000000000e+00, v2;
	_ =	sdelay $0x1  }
0x22: {  	(erf) = vrcp.f32 @!p0 v3;
	_ =	sdelay $0x8  }
0x23: {  	v3 =	vpop @!p0 (erf)  }
0x24: {  	v2 =	vmul.f32 @!p0 v3, v2;
	_ =	sdelay $0x1  }
0x25: {  	v3 =	vmul.f32 @!p0 v2, v2;
	_ =	sdelay $0x1  }
0x26: {  	v4 =	vmul.f32 @!p0 $9.090909360e-02, v3;
	_ =	sdelay $0x1  }
0x27: {  	v4 =	vadd.f32 @!p0 $1.111111120e-01, v4;
	_ =	sdelay $0x1  }
0x28: {  	v4 =	vmul.f32 @!p0 v4, v3;
	_ =	sdelay $0x1  }
0x29: {  	v4 =	vadd.f32 @!p0 $1.428571490e-01, v4;
	_ =	sdelay $0x1  }
0x2a: {  	v4 =	vmul.f32 @!p0 v4, v3;
	_ =	sdelay $0x1  }
0x2b: {  	v4 =	vadd.f32 @!p0 $2.000000030e-01, v4;
	_ =	sdelay $0x1  }
0x2c: {  	v4 =	vmul.f32 @!p0 v4, v3;
	_ =	sdelay $0x1  }
0x2d: {  	v4 =	vadd.f32 @!p0 $3.333333430e-01, v4;
	_ =	sdelay $0x1  }
0x2e: {  	v3 =	vmul.f32 @!p0 v4, v3;
	_ =	sdelay $0x1  }
0x2f: {  	v2 =	vadd.f32 @!p0 v2, v2;
	v3 =	vadd.f32 @!p0 $1.000000000e+00, v3;
	_ =	sdelay $0x1  }
0x30: {  	v2 =	vmul.f32 @!p0 v3, v2  }
0x31: {  	v0 =	vmax.f32 @!p0 v0, v1  }
0x32: {  	v0 =	vadd.f32 @!p0 v2, v0;
	_ =	sdelay $0x1  }
0x33: {  	s2 =	simm.s32 @!p0 $0x100;
	[tilespmem:$0x100] =	vst @!p0 v0  }
0x34: {  	[hbm4b:s1+s4] =	stream.linear.scatter @!p0 [tilespmem:s2], [sflag:$0x3], $0x80, $0x38;
	[tilespmem:$0x180] =	vst v63  }
0x35: {  	s1 =	simm.s32 @!p0 $0x3  }
0x36: {  	_ =	swait.ge @!p0 [sflag:s1], $0x80  }
0x37: {  	[sflag:s1] =	ssyncset.done @!p0 $0x0  }
0x38: {  	[sflag:s1] =	ssyncadd.s32 @!p0 $0xFFFFFF80  }
0x39: {  	_ =	sfence.sel $0x180000  }
0x3a: {  	[bflag:$0x0] =	sbarrier.arrive $0xFFFF  }
0x3b: {  	_ =	strace $0x90000047  }
0x3c: {  	s0 =	sadd.s32 @!p0 $0x100000, s0;
	[bflag:$0x2] =	sbarrier.arrive $0xFFFF  }
0x3d: {  	[sflag:s0] =	ssyncadd.tile.s32 @!p0 $0x1;
	_ =	shalt  }
.Lfunc_end2:
_tile_overlayer_lowered:
.L_overlay_start_2:
0x3e: {  	(tag) =	ssettag $0x2  }
0x3f: {  	s0 =	rddreg [dreg:$0x0];
	s2 =	stileid.u32  }
0x40: {  	s1 =	rddreg [dreg:$0x1];
	p0 =	sne.s32 s2, $0x0  }
0x41: {  	s3 =	rddreg [dreg:$0x2];
	[bflag:$0x3] =	sbarrier.arrive $0xFFFF;
	s2 =	simm.s32 @!p0 $0x1C03  }
0x42: {  	[timem:s3], [sflag:s2] =	dma.local @!p0 [hbm:s0], s1  }
0x43: {  	s0 =	simm.s32 @!p0 $0x3  }
0x44: {  	_ =	swait.ge @!p0 [sflag:s0], s1  }
0x45: {  	s1 =	ssub.s32 @!p0 $0x0, s1;
	[sflag:s0] =	ssyncset.done @!p0 $0x0  }
0x46: {  	[sflag:s0] =	ssyncadd.s32 @!p0 s1  }
0x47: {  	[bflag:$0x3] =	sbarrier.arrive $0xFFFF  }
0x48: {  	_ =	shalt  }

</sc_bundles>
